<compile_context>
chip_gen: v7x
topology: tpu7x:2x2x1
jax: 0.10.2.dev20260603
libtpu: 0.0.44.dev20260713+nightly
codegen_flags: <defaults>
</compile_context>

<pallas_src>
import jax
import jax.numpy as jnp
from jax import lax
from jax.experimental import pallas as pl
from jax.experimental.pallas import tpu as pltpu
from jax.experimental.pallas import tpu_sc as plsc

VOCAB_P1 = 100001
BATCH = 4096
HIST = 200
LANES = 16
NUM_CORES = 2
NUM_SUBCORES = 16
NUM_TILES = NUM_CORES * NUM_SUBCORES
COLS_PER_TILE = BATCH // NUM_TILES
GROUPS = COLS_PER_TILE // LANES
L_UNROLL = 2
L_PASS1 = 104
L_PASS2 = HIST - L_PASS1


def _sc_body(table_hbm, xt_hbm, out_hbm, table_sh, table_v, idx_v, out_v,
             sem_i):
    sid = lax.axis_index("s")
    wid = sid * NUM_CORES + lax.axis_index("c")
    cbase = wid * COLS_PER_TILE

    cp_i = pltpu.async_copy(
        xt_hbm.at[pl.ds(0, L_PASS1), pl.ds(cbase, COLS_PER_TILE)], idx_v,
        sem_i)

    @pl.when(sid == 0)
    def _():
        pltpu.sync_copy(table_hbm, table_sh)

    plsc.subcore_barrier()
    pltpu.sync_copy(table_sh, table_v)

    def step(l0, accs):
        accs = list(accs)
        for dl in range(L_UNROLL):
            l = l0 * L_UNROLL + dl
            for g in range(GROUPS):
                idx = idx_v[l, pl.ds(g * LANES, LANES)]
                accs[g] = accs[g] + plsc.load_gather(table_v, [idx])
        return tuple(accs)

    zero = jnp.zeros((LANES,), jnp.float32)
    cp_i.wait()
    accs = lax.fori_loop(0, L_PASS1 // L_UNROLL, step, (zero,) * GROUPS)
    pltpu.async_copy(
        xt_hbm.at[pl.ds(L_PASS1, L_PASS2), pl.ds(cbase, COLS_PER_TILE)],
        idx_v.at[pl.ds(0, L_PASS2), :], sem_i).wait()
    accs = lax.fori_loop(0, L_PASS2 // L_UNROLL, step, accs)
    for g in range(GROUPS):
        out_v[pl.ds(g * LANES, LANES)] = accs[g]

    pltpu.sync_copy(out_v, out_hbm.at[pl.ds(cbase, COLS_PER_TILE)])


@jax.jit
def _bow_sum(table_flat, xt):
    mesh = plsc.VectorSubcoreMesh(core_axis_name="c", subcore_axis_name="s")
    return pl.kernel(
        _sc_body,
        out_type=jax.ShapeDtypeStruct((BATCH,), jnp.float32),
        mesh=mesh,
        scratch_types=[
            pltpu.VMEM_SHARED((VOCAB_P1,), jnp.float32),
            pltpu.VMEM((VOCAB_P1,), jnp.float32),
            pltpu.VMEM((L_PASS1, COLS_PER_TILE), jnp.int32),
            pltpu.VMEM((COLS_PER_TILE,), jnp.float32),
            pltpu.SemaphoreType.DMA,
        ],
        compiler_params=pltpu.CompilerParams(needs_layout_passes=False),
    )(table_flat, xt)


def kernel(x, table):
    return _bow_sum(table.reshape(-1), x.T).reshape(BATCH, 1)

# --- scband reference (transcript-rebuilt; emitter-appended) ---
"""Pipeline reference for scband-bowmodel-32736240731001 (READ-ONLY COPY).

The authoritative reference and input builder live on the scoring server;
editing this copy changes nothing except your own understanding.
"""

import jax, jax.numpy as jnp
import numpy as np

VOCAB_SIZE = 100000
PADDING_IDX = 0
BATCH = 4096
HIST_LEN = 200


def setup_inputs(seed: int = 0) -> dict:
    key = jax.random.key(seed)
    k_idx, k_tab = jax.random.split(key)
    # indices in [0, vocab_size], table has vocab_size + 1 rows
    x = jax.random.randint(k_idx, (BATCH, HIST_LEN), 0, VOCAB_SIZE + 1, dtype=jnp.int32)
    table = jax.random.normal(k_tab, (VOCAB_SIZE + 1, 1), dtype=jnp.float32)
    # nn.Embedding with padding_idx zero-initializes the padding row
    table = table.at[PADDING_IDX].set(0.0)
    return {"x": x, "table": table}


def reference(x, table):
    # emb(x) -> gather rows; .sum(dim=1) -> bag-of-words sum over sequence dim
    emb = jnp.take(table, x, axis=0)  # [B, L, 1]
    return emb.sum(axis=1)  # [B, 1]

if __name__ == "__main__":
    import jax
    _d = setup_inputs()
    print(jax.jit(kernel)(*tuple(_d.values())))

</pallas_src>

<mosaic_0001>
#map = affine_map<(d0, d1) -> (0)>
#map1 = affine_map<(d0, d1) -> (0, 0)>
module attributes {stable_mosaic.version = 14 : i64} {
  func.func @_sc_body(%arg0: i32, %arg1: i32, %arg2: memref<100001xf32, #tpu.memory_space<hbm>>, %arg3: memref<200x4096xi32, #tpu.memory_space<hbm>>, %arg4: memref<4096xf32, #tpu.memory_space<hbm>>, %arg5: memref<100001xf32, #tpu.memory_space<vmem_shared>>, %arg6: memref<100001xf32, #tpu.memory_space<vmem>>, %arg7: memref<104x128xi32, #tpu.memory_space<vmem>>, %arg8: memref<128xf32, #tpu.memory_space<vmem>>, %arg9: memref<!tpu.dma_semaphore, #tpu.memory_space<semaphore_mem>>) attributes {dimension_semantics = [#tpu.dimension_semantics<core_parallel>, #tpu.dimension_semantics<subcore_parallel>], iteration_bounds = array<i64: 2, 16>, scalar_prefetch = 0 : i64, scratch_operands = 5 : i64, tpu.core_type = #tpu.core_type<sc_vector_subcore>, window_params = [{transform_indices = #map}, {transform_indices = #map1}, {transform_indices = #map}]} {
    %mul3A = arith.constant 2 : i32
    %mul3A_0 = arith.muli %arg1, %mul3A : i32
    %add3A = arith.addi %mul3A_0, %arg0 : i32
    %mul3A_1 = arith.constant 128 : i32
    %mul3A_2 = arith.muli %add3A, %mul3A_1 : i32
    %dma_start3A = arith.constant 0 : i32
    %dma_start3A_3 = tpu.memref_slice %arg3[%dma_start3A, %mul3A_2] : memref<200x4096xi32, #tpu.memory_space<hbm>> -> memref<104x128xi32, #tpu.memory_space<hbm>>
    %dma_start3A_4 = arith.constant 0 : i32
    %dma_start3A_5 = tpu.memref_slice %arg3[%dma_start3A_4, %mul3A_2] : memref<200x4096xi32, #tpu.memory_space<hbm>> -> memref<104x128xi32, #tpu.memory_space<hbm>>
    tpu.enqueue_dma source(%dma_start3A_5 : memref<104x128xi32, #tpu.memory_space<hbm>>) target(%arg7 : memref<104x128xi32, #tpu.memory_space<vmem>>) target_semaphore(%arg9 : memref<!tpu.dma_semaphore, #tpu.memory_space<semaphore_mem>>)
    %eq3A = arith.constant 0 : i32
    %eq3A_6 = arith.cmpi eq, %arg1, %eq3A : i32
    %convert_element_type3A = arith.extui %eq3A_6 : i1 to i32
    %cond3A = arith.constant 0 : i32
    %cond3A_7 = arith.cmpi ne, %convert_element_type3A, %cond3A : i32
    scf.if %cond3A_7 {
      "tpu.region"() ({
        %run_scoped3A = tpu.sem_alloc : memref<!tpu.dma_semaphore, #tpu.memory_space<semaphore_mem>>
        tpu.enqueue_dma source(%arg2 : memref<100001xf32, #tpu.memory_space<hbm>>) target(%arg5 : memref<100001xf32, #tpu.memory_space<vmem_shared>>) target_semaphore(%run_scoped3A : memref<!tpu.dma_semaphore, #tpu.memory_space<semaphore_mem>>)
        tpu.wait_dma2 semaphore(%run_scoped3A : memref<!tpu.dma_semaphore, #tpu.memory_space<semaphore_mem>>) src(%arg2 : memref<100001xf32, #tpu.memory_space<hbm>>) dst(%arg5 : memref<100001xf32, #tpu.memory_space<vmem_shared>>)
        tpu.yield
      }) : () -> ()
    } else {
    }
    %barrier3A = arith.constant 0 : index
    tpu.barrier barrier_id(%barrier3A)
    "tpu.region"() ({
      %run_scoped3A = tpu.sem_alloc : memref<!tpu.dma_semaphore, #tpu.memory_space<semaphore_mem>>
      tpu.enqueue_dma source(%arg5 : memref<100001xf32, #tpu.memory_space<vmem_shared>>) target(%arg6 : memref<100001xf32, #tpu.memory_space<vmem>>) target_semaphore(%run_scoped3A : memref<!tpu.dma_semaphore, #tpu.memory_space<semaphore_mem>>)
      tpu.wait_dma2 semaphore(%run_scoped3A : memref<!tpu.dma_semaphore, #tpu.memory_space<semaphore_mem>>) src(%arg5 : memref<100001xf32, #tpu.memory_space<vmem_shared>>) dst(%arg6 : memref<100001xf32, #tpu.memory_space<vmem>>)
      tpu.yield
    }) : () -> ()
    %broadcast_in_dim3A = arith.constant 0.000000e+00 : f32
    %broadcast_in_dim3A_8 = vector.broadcast %broadcast_in_dim3A : f32 to vector<16xf32>
    %dma_wait3A = arith.constant 0 : i32
    %dma_wait3A_9 = tpu.memref_slice %arg3[%dma_wait3A, %mul3A_2] : memref<200x4096xi32, #tpu.memory_space<hbm>> -> memref<104x128xi32, #tpu.memory_space<hbm>>
    %dma_wait3A_10 = arith.constant 0 : i32
    %dma_wait3A_11 = tpu.memref_slice %arg3[%dma_wait3A_10, %mul3A_2] : memref<200x4096xi32, #tpu.memory_space<hbm>> -> memref<104x128xi32, #tpu.memory_space<hbm>>
    tpu.wait_dma2 semaphore(%arg9 : memref<!tpu.dma_semaphore, #tpu.memory_space<semaphore_mem>>) src(%dma_wait3A_11 : memref<104x128xi32, #tpu.memory_space<hbm>>) dst(%arg7 : memref<104x128xi32, #tpu.memory_space<vmem>>)
    %scan3A = arith.constant 0 : i32
    %scan3A_12 = arith.constant 52 : i32
    %scan3A_13 = arith.addi %scan3A, %scan3A_12 : i32
    %scan3A_14 = arith.constant 1 : i32
    %scan3A_15:8 = scf.for %scan3A_58 = %scan3A to %scan3A_13 step %scan3A_14 iter_args(%scan3A_59 = %broadcast_in_dim3A_8, %scan3A_60 = %broadcast_in_dim3A_8, %scan3A_61 = %broadcast_in_dim3A_8, %scan3A_62 = %broadcast_in_dim3A_8, %scan3A_63 = %broadcast_in_dim3A_8, %scan3A_64 = %broadcast_in_dim3A_8, %scan3A_65 = %broadcast_in_dim3A_8, %scan3A_66 = %broadcast_in_dim3A_8) -> (vector<16xf32>, vector<16xf32>, vector<16xf32>, vector<16xf32>, vector<16xf32>, vector<16xf32>, vector<16xf32>, vector<16xf32>)  : i32 {
      %mul3A_67 = arith.constant 2 : i32
      %mul3A_68 = arith.muli %scan3A_58, %mul3A_67 : i32
      %add3A_69 = arith.constant 0 : i32
      %add3A_70 = arith.addi %mul3A_68, %add3A_69 : i32
      %get3A = arith.index_cast %add3A_70 : i32 to index
      %get3A_71 = arith.constant 0 : index
      %get3A_72 = tpu.vector_load %arg7[%get3A, %get3A_71] {strides = array<i32>} : memref<104x128xi32, #tpu.memory_space<vmem>>, vector<16xi32>,
      %gather3A = tpu.vector_load_idx %arg6[%get3A_72] : memref<100001xf32, #tpu.memory_space<vmem>>[vector<16xi32>], vector<16xf32>,
      %add3A_73 = arith.addf %scan3A_59, %gather3A : vector<16xf32>
      %get3A_74 = arith.index_cast %add3A_70 : i32 to index
      %get3A_75 = arith.constant 16 : index
      %get3A_76 = tpu.vector_load %arg7[%get3A_74, %get3A_75] {strides = array<i32>} : memref<104x128xi32, #tpu.memory_space<vmem>>, vector<16xi32>,
      %gather3A_77 = tpu.vector_load_idx %arg6[%get3A_76] : memref<100001xf32, #tpu.memory_space<vmem>>[vector<16xi32>], vector<16xf32>,
      %add3A_78 = arith.addf %scan3A_60, %gather3A_77 : vector<16xf32>
      %get3A_79 = arith.index_cast %add3A_70 : i32 to index
      %get3A_80 = arith.constant 32 : index
      %get3A_81 = tpu.vector_load %arg7[%get3A_79, %get3A_80] {strides = array<i32>} : memref<104x128xi32, #tpu.memory_space<vmem>>, vector<16xi32>,
      %gather3A_82 = tpu.vector_load_idx %arg6[%get3A_81] : memref<100001xf32, #tpu.memory_space<vmem>>[vector<16xi32>], vector<16xf32>,
      %add3A_83 = arith.addf %scan3A_61, %gather3A_82 : vector<16xf32>
      %get3A_84 = arith.index_cast %add3A_70 : i32 to index
      %get3A_85 = arith.constant 48 : index
      %get3A_86 = tpu.vector_load %arg7[%get3A_84, %get3A_85] {strides = array<i32>} : memref<104x128xi32, #tpu.memory_space<vmem>>, vector<16xi32>,
      %gather3A_87 = tpu.vector_load_idx %arg6[%get3A_86] : memref<100001xf32, #tpu.memory_space<vmem>>[vector<16xi32>], vector<16xf32>,
      %add3A_88 = arith.addf %scan3A_62, %gather3A_87 : vector<16xf32>
      %get3A_89 = arith.index_cast %add3A_70 : i32 to index
      %get3A_90 = arith.constant 64 : index
      %get3A_91 = tpu.vector_load %arg7[%get3A_89, %get3A_90] {strides = array<i32>} : memref<104x128xi32, #tpu.memory_space<vmem>>, vector<16xi32>,
      %gather3A_92 = tpu.vector_load_idx %arg6[%get3A_91] : memref<100001xf32, #tpu.memory_space<vmem>>[vector<16xi32>], vector<16xf32>,
      %add3A_93 = arith.addf %scan3A_63, %gather3A_92 : vector<16xf32>
      %get3A_94 = arith.index_cast %add3A_70 : i32 to index
      %get3A_95 = arith.constant 80 : index
      %get3A_96 = tpu.vector_load %arg7[%get3A_94, %get3A_95] {strides = array<i32>} : memref<104x128xi32, #tpu.memory_space<vmem>>, vector<16xi32>,
      %gather3A_97 = tpu.vector_load_idx %arg6[%get3A_96] : memref<100001xf32, #tpu.memory_space<vmem>>[vector<16xi32>], vector<16xf32>,
      %add3A_98 = arith.addf %scan3A_64, %gather3A_97 : vector<16xf32>
      %get3A_99 = arith.index_cast %add3A_70 : i32 to index
      %get3A_100 = arith.constant 96 : index
      %get3A_101 = tpu.vector_load %arg7[%get3A_99, %get3A_100] {strides = array<i32>} : memref<104x128xi32, #tpu.memory_space<vmem>>, vector<16xi32>,
      %gather3A_102 = tpu.vector_load_idx %arg6[%get3A_101] : memref<100001xf32, #tpu.memory_space<vmem>>[vector<16xi32>], vector<16xf32>,
      %add3A_103 = arith.addf %scan3A_65, %gather3A_102 : vector<16xf32>
      %get3A_104 = arith.index_cast %add3A_70 : i32 to index
      %get3A_105 = arith.constant 112 : index
      %get3A_106 = tpu.vector_load %arg7[%get3A_104, %get3A_105] {strides = array<i32>} : memref<104x128xi32, #tpu.memory_space<vmem>>, vector<16xi32>,
      %gather3A_107 = tpu.vector_load_idx %arg6[%get3A_106] : memref<100001xf32, #tpu.memory_space<vmem>>[vector<16xi32>], vector<16xf32>,
      %add3A_108 = arith.addf %scan3A_66, %gather3A_107 : vector<16xf32>
      %mul3A_109 = arith.constant 2 : i32
      %mul3A_110 = arith.muli %scan3A_58, %mul3A_109 : i32
      %add3A_111 = arith.constant 1 : i32
      %add3A_112 = arith.addi %mul3A_110, %add3A_111 : i32
      %get3A_113 = arith.index_cast %add3A_112 : i32 to index
      %get3A_114 = arith.constant 0 : index
      %get3A_115 = tpu.vector_load %arg7[%get3A_113, %get3A_114] {strides = array<i32>} : memref<104x128xi32, #tpu.memory_space<vmem>>, vector<16xi32>,
      %gather3A_116 = tpu.vector_load_idx %arg6[%get3A_115] : memref<100001xf32, #tpu.memory_space<vmem>>[vector<16xi32>], vector<16xf32>,
      %add3A_117 = arith.addf %add3A_73, %gather3A_116 : vector<16xf32>
      %get3A_118 = arith.index_cast %add3A_112 : i32 to index
      %get3A_119 = arith.constant 16 : index
      %get3A_120 = tpu.vector_load %arg7[%get3A_118, %get3A_119] {strides = array<i32>} : memref<104x128xi32, #tpu.memory_space<vmem>>, vector<16xi32>,
      %gather3A_121 = tpu.vector_load_idx %arg6[%get3A_120] : memref<100001xf32, #tpu.memory_space<vmem>>[vector<16xi32>], vector<16xf32>,
      %add3A_122 = arith.addf %add3A_78, %gather3A_121 : vector<16xf32>
      %get3A_123 = arith.index_cast %add3A_112 : i32 to index
      %get3A_124 = arith.constant 32 : index
      %get3A_125 = tpu.vector_load %arg7[%get3A_123, %get3A_124] {strides = array<i32>} : memref<104x128xi32, #tpu.memory_space<vmem>>, vector<16xi32>,
      %gather3A_126 = tpu.vector_load_idx %arg6[%get3A_125] : memref<100001xf32, #tpu.memory_space<vmem>>[vector<16xi32>], vector<16xf32>,
      %add3A_127 = arith.addf %add3A_83, %gather3A_126 : vector<16xf32>
      %get3A_128 = arith.index_cast %add3A_112 : i32 to index
      %get3A_129 = arith.constant 48 : index
      %get3A_130 = tpu.vector_load %arg7[%get3A_128, %get3A_129] {strides = array<i32>} : memref<104x128xi32, #tpu.memory_space<vmem>>, vector<16xi32>,
      %gather3A_131 = tpu.vector_load_idx %arg6[%get3A_130] : memref<100001xf32, #tpu.memory_space<vmem>>[vector<16xi32>], vector<16xf32>,
      %add3A_132 = arith.addf %add3A_88, %gather3A_131 : vector<16xf32>
      %get3A_133 = arith.index_cast %add3A_112 : i32 to index
      %get3A_134 = arith.constant 64 : index
      %get3A_135 = tpu.vector_load %arg7[%get3A_133, %get3A_134] {strides = array<i32>} : memref<104x128xi32, #tpu.memory_space<vmem>>, vector<16xi32>,
      %gather3A_136 = tpu.vector_load_idx %arg6[%get3A_135] : memref<100001xf32, #tpu.memory_space<vmem>>[vector<16xi32>], vector<16xf32>,
      %add3A_137 = arith.addf %add3A_93, %gather3A_136 : vector<16xf32>
      %get3A_138 = arith.index_cast %add3A_112 : i32 to index
      %get3A_139 = arith.constant 80 : index
      %get3A_140 = tpu.vector_load %arg7[%get3A_138, %get3A_139] {strides = array<i32>} : memref<104x128xi32, #tpu.memory_space<vmem>>, vector<16xi32>,
      %gather3A_141 = tpu.vector_load_idx %arg6[%get3A_140] : memref<100001xf32, #tpu.memory_space<vmem>>[vector<16xi32>], vector<16xf32>,
      %add3A_142 = arith.addf %add3A_98, %gather3A_141 : vector<16xf32>
      %get3A_143 = arith.index_cast %add3A_112 : i32 to index
      %get3A_144 = arith.constant 96 : index
      %get3A_145 = tpu.vector_load %arg7[%get3A_143, %get3A_144] {strides = array<i32>} : memref<104x128xi32, #tpu.memory_space<vmem>>, vector<16xi32>,
      %gather3A_146 = tpu.vector_load_idx %arg6[%get3A_145] : memref<100001xf32, #tpu.memory_space<vmem>>[vector<16xi32>], vector<16xf32>,
      %add3A_147 = arith.addf %add3A_103, %gather3A_146 : vector<16xf32>
      %get3A_148 = arith.index_cast %add3A_112 : i32 to index
      %get3A_149 = arith.constant 112 : index
      %get3A_150 = tpu.vector_load %arg7[%get3A_148, %get3A_149] {strides = array<i32>} : memref<104x128xi32, #tpu.memory_space<vmem>>, vector<16xi32>,
      %gather3A_151 = tpu.vector_load_idx %arg6[%get3A_150] : memref<100001xf32, #tpu.memory_space<vmem>>[vector<16xi32>], vector<16xf32>,
      %add3A_152 = arith.addf %add3A_108, %gather3A_151 : vector<16xf32>
      scf.yield %add3A_117, %add3A_122, %add3A_127, %add3A_132, %add3A_137, %add3A_142, %add3A_147, %add3A_152 : vector<16xf32>, vector<16xf32>, vector<16xf32>, vector<16xf32>, vector<16xf32>, vector<16xf32>, vector<16xf32>, vector<16xf32>
    }
    %scan3A_16 = arith.constant 52 : i32
    %dma_start3A_17 = arith.constant 0 : i32
    %dma_start3A_18 = arith.constant 0 : i32
    %dma_start3A_19 = tpu.memref_slice %arg7[%dma_start3A_17, %dma_start3A_18] : memref<104x128xi32, #tpu.memory_space<vmem>> -> memref<96x128xi32, #tpu.memory_space<vmem>>
    %dma_start3A_20 = arith.constant 104 : i32
    %dma_start3A_21 = tpu.memref_slice %arg3[%dma_start3A_20, %mul3A_2] : memref<200x4096xi32, #tpu.memory_space<hbm>> -> memref<96x128xi32, #tpu.memory_space<hbm>>
    %dma_start3A_22 = arith.constant 0 : i32
    %dma_start3A_23 = arith.constant 0 : i32
    %dma_start3A_24 = tpu.memref_slice %arg7[%dma_start3A_22, %dma_start3A_23] : memref<104x128xi32, #tpu.memory_space<vmem>> -> memref<96x128xi32, #tpu.memory_space<vmem>>
    %dma_start3A_25 = arith.constant 104 : i32
    %dma_start3A_26 = tpu.memref_slice %arg3[%dma_start3A_25, %mul3A_2] : memref<200x4096xi32, #tpu.memory_space<hbm>> -> memref<96x128xi32, #tpu.memory_space<hbm>>
    tpu.enqueue_dma source(%dma_start3A_26 : memref<96x128xi32, #tpu.memory_space<hbm>>) target(%dma_start3A_24 : memref<96x128xi32, #tpu.memory_space<vmem>>) target_semaphore(%arg9 : memref<!tpu.dma_semaphore, #tpu.memory_space<semaphore_mem>>)
    %dma_wait3A_27 = arith.constant 0 : i32
    %dma_wait3A_28 = arith.constant 0 : i32
    %dma_wait3A_29 = tpu.memref_slice %arg7[%dma_wait3A_27, %dma_wait3A_28] : memref<104x128xi32, #tpu.memory_space<vmem>> -> memref<96x128xi32, #tpu.memory_space<vmem>>
    %dma_wait3A_30 = arith.constant 104 : i32
    %dma_wait3A_31 = tpu.memref_slice %arg3[%dma_wait3A_30, %mul3A_2] : memref<200x4096xi32, #tpu.memory_space<hbm>> -> memref<96x128xi32, #tpu.memory_space<hbm>>
    %dma_wait3A_32 = arith.constant 0 : i32
    %dma_wait3A_33 = arith.constant 0 : i32
    %dma_wait3A_34 = tpu.memref_slice %arg7[%dma_wait3A_32, %dma_wait3A_33] : memref<104x128xi32, #tpu.memory_space<vmem>> -> memref<96x128xi32, #tpu.memory_space<vmem>>
    %dma_wait3A_35 = arith.constant 104 : i32
    %dma_wait3A_36 = tpu.memref_slice %arg3[%dma_wait3A_35, %mul3A_2] : memref<200x4096xi32, #tpu.memory_space<hbm>> -> memref<96x128xi32, #tpu.memory_space<hbm>>
    tpu.wait_dma2 semaphore(%arg9 : memref<!tpu.dma_semaphore, #tpu.memory_space<semaphore_mem>>) src(%dma_wait3A_36 : memref<96x128xi32, #tpu.memory_space<hbm>>) dst(%dma_wait3A_34 : memref<96x128xi32, #tpu.memory_space<vmem>>)
    %scan3A_37 = arith.constant 0 : i32
    %scan3A_38 = arith.constant 48 : i32
    %scan3A_39 = arith.addi %scan3A_37, %scan3A_38 : i32
    %scan3A_40 = arith.constant 1 : i32
    %scan3A_41:8 = scf.for %scan3A_58 = %scan3A_37 to %scan3A_39 step %scan3A_40 iter_args(%scan3A_59 = %scan3A_15#0, %scan3A_60 = %scan3A_15#1, %scan3A_61 = %scan3A_15#2, %scan3A_62 = %scan3A_15#3, %scan3A_63 = %scan3A_15#4, %scan3A_64 = %scan3A_15#5, %scan3A_65 = %scan3A_15#6, %scan3A_66 = %scan3A_15#7) -> (vector<16xf32>, vector<16xf32>, vector<16xf32>, vector<16xf32>, vector<16xf32>, vector<16xf32>, vector<16xf32>, vector<16xf32>)  : i32 {
      %mul3A_67 = arith.constant 2 : i32
      %mul3A_68 = arith.muli %scan3A_58, %mul3A_67 : i32
      %add3A_69 = arith.constant 0 : i32
      %add3A_70 = arith.addi %mul3A_68, %add3A_69 : i32
      %get3A = arith.index_cast %add3A_70 : i32 to index
      %get3A_71 = arith.constant 0 : index
      %get3A_72 = tpu.vector_load %arg7[%get3A, %get3A_71] {strides = array<i32>} : memref<104x128xi32, #tpu.memory_space<vmem>>, vector<16xi32>,
      %gather3A = tpu.vector_load_idx %arg6[%get3A_72] : memref<100001xf32, #tpu.memory_space<vmem>>[vector<16xi32>], vector<16xf32>,
      %add3A_73 = arith.addf %scan3A_59, %gather3A : vector<16xf32>
      %get3A_74 = arith.index_cast %add3A_70 : i32 to index
      %get3A_75 = arith.constant 16 : index
      %get3A_76 = tpu.vector_load %arg7[%get3A_74, %get3A_75] {strides = array<i32>} : memref<104x128xi32, #tpu.memory_space<vmem>>, vector<16xi32>,
      %gather3A_77 = tpu.vector_load_idx %arg6[%get3A_76] : memref<100001xf32, #tpu.memory_space<vmem>>[vector<16xi32>], vector<16xf32>,
      %add3A_78 = arith.addf %scan3A_60, %gather3A_77 : vector<16xf32>
      %get3A_79 = arith.index_cast %add3A_70 : i32 to index
      %get3A_80 = arith.constant 32 : index
      %get3A_81 = tpu.vector_load %arg7[%get3A_79, %get3A_80] {strides = array<i32>} : memref<104x128xi32, #tpu.memory_space<vmem>>, vector<16xi32>,
      %gather3A_82 = tpu.vector_load_idx %arg6[%get3A_81] : memref<100001xf32, #tpu.memory_space<vmem>>[vector<16xi32>], vector<16xf32>,
      %add3A_83 = arith.addf %scan3A_61, %gather3A_82 : vector<16xf32>
      %get3A_84 = arith.index_cast %add3A_70 : i32 to index
      %get3A_85 = arith.constant 48 : index
      %get3A_86 = tpu.vector_load %arg7[%get3A_84, %get3A_85] {strides = array<i32>} : memref<104x128xi32, #tpu.memory_space<vmem>>, vector<16xi32>,
      %gather3A_87 = tpu.vector_load_idx %arg6[%get3A_86] : memref<100001xf32, #tpu.memory_space<vmem>>[vector<16xi32>], vector<16xf32>,
      %add3A_88 = arith.addf %scan3A_62, %gather3A_87 : vector<16xf32>
      %get3A_89 = arith.index_cast %add3A_70 : i32 to index
      %get3A_90 = arith.constant 64 : index
      %get3A_91 = tpu.vector_load %arg7[%get3A_89, %get3A_90] {strides = array<i32>} : memref<104x128xi32, #tpu.memory_space<vmem>>, vector<16xi32>,
      %gather3A_92 = tpu.vector_load_idx %arg6[%get3A_91] : memref<100001xf32, #tpu.memory_space<vmem>>[vector<16xi32>], vector<16xf32>,
      %add3A_93 = arith.addf %scan3A_63, %gather3A_92 : vector<16xf32>
      %get3A_94 = arith.index_cast %add3A_70 : i32 to index
      %get3A_95 = arith.constant 80 : index
      %get3A_96 = tpu.vector_load %arg7[%get3A_94, %get3A_95] {strides = array<i32>} : memref<104x128xi32, #tpu.memory_space<vmem>>, vector<16xi32>,
      %gather3A_97 = tpu.vector_load_idx %arg6[%get3A_96] : memref<100001xf32, #tpu.memory_space<vmem>>[vector<16xi32>], vector<16xf32>,
      %add3A_98 = arith.addf %scan3A_64, %gather3A_97 : vector<16xf32>
      %get3A_99 = arith.index_cast %add3A_70 : i32 to index
      %get3A_100 = arith.constant 96 : index
      %get3A_101 = tpu.vector_load %arg7[%get3A_99, %get3A_100] {strides = array<i32>} : memref<104x128xi32, #tpu.memory_space<vmem>>, vector<16xi32>,
      %gather3A_102 = tpu.vector_load_idx %arg6[%get3A_101] : memref<100001xf32, #tpu.memory_space<vmem>>[vector<16xi32>], vector<16xf32>,
      %add3A_103 = arith.addf %scan3A_65, %gather3A_102 : vector<16xf32>
      %get3A_104 = arith.index_cast %add3A_70 : i32 to index
      %get3A_105 = arith.constant 112 : index
      %get3A_106 = tpu.vector_load %arg7[%get3A_104, %get3A_105] {strides = array<i32>} : memref<104x128xi32, #tpu.memory_space<vmem>>, vector<16xi32>,
      %gather3A_107 = tpu.vector_load_idx %arg6[%get3A_106] : memref<100001xf32, #tpu.memory_space<vmem>>[vector<16xi32>], vector<16xf32>,
      %add3A_108 = arith.addf %scan3A_66, %gather3A_107 : vector<16xf32>
      %mul3A_109 = arith.constant 2 : i32
      %mul3A_110 = arith.muli %scan3A_58, %mul3A_109 : i32
      %add3A_111 = arith.constant 1 : i32
      %add3A_112 = arith.addi %mul3A_110, %add3A_111 : i32
      %get3A_113 = arith.index_cast %add3A_112 : i32 to index
      %get3A_114 = arith.constant 0 : index
      %get3A_115 = tpu.vector_load %arg7[%get3A_113, %get3A_114] {strides = array<i32>} : memref<104x128xi32, #tpu.memory_space<vmem>>, vector<16xi32>,
      %gather3A_116 = tpu.vector_load_idx %arg6[%get3A_115] : memref<100001xf32, #tpu.memory_space<vmem>>[vector<16xi32>], vector<16xf32>,
      %add3A_117 = arith.addf %add3A_73, %gather3A_116 : vector<16xf32>
      %get3A_118 = arith.index_cast %add3A_112 : i32 to index
      %get3A_119 = arith.constant 16 : index
      %get3A_120 = tpu.vector_load %arg7[%get3A_118, %get3A_119] {strides = array<i32>} : memref<104x128xi32, #tpu.memory_space<vmem>>, vector<16xi32>,
      %gather3A_121 = tpu.vector_load_idx %arg6[%get3A_120] : memref<100001xf32, #tpu.memory_space<vmem>>[vector<16xi32>], vector<16xf32>,
      %add3A_122 = arith.addf %add3A_78, %gather3A_121 : vector<16xf32>
      %get3A_123 = arith.index_cast %add3A_112 : i32 to index
      %get3A_124 = arith.constant 32 : index
      %get3A_125 = tpu.vector_load %arg7[%get3A_123, %get3A_124] {strides = array<i32>} : memref<104x128xi32, #tpu.memory_space<vmem>>, vector<16xi32>,
      %gather3A_126 = tpu.vector_load_idx %arg6[%get3A_125] : memref<100001xf32, #tpu.memory_space<vmem>>[vector<16xi32>], vector<16xf32>,
      %add3A_127 = arith.addf %add3A_83, %gather3A_126 : vector<16xf32>
      %get3A_128 = arith.index_cast %add3A_112 : i32 to index
      %get3A_129 = arith.constant 48 : index
      %get3A_130 = tpu.vector_load %arg7[%get3A_128, %get3A_129] {strides = array<i32>} : memref<104x128xi32, #tpu.memory_space<vmem>>, vector<16xi32>,
      %gather3A_131 = tpu.vector_load_idx %arg6[%get3A_130] : memref<100001xf32, #tpu.memory_space<vmem>>[vector<16xi32>], vector<16xf32>,
      %add3A_132 = arith.addf %add3A_88, %gather3A_131 : vector<16xf32>
      %get3A_133 = arith.index_cast %add3A_112 : i32 to index
      %get3A_134 = arith.constant 64 : index
      %get3A_135 = tpu.vector_load %arg7[%get3A_133, %get3A_134] {strides = array<i32>} : memref<104x128xi32, #tpu.memory_space<vmem>>, vector<16xi32>,
      %gather3A_136 = tpu.vector_load_idx %arg6[%get3A_135] : memref<100001xf32, #tpu.memory_space<vmem>>[vector<16xi32>], vector<16xf32>,
      %add3A_137 = arith.addf %add3A_93, %gather3A_136 : vector<16xf32>
      %get3A_138 = arith.index_cast %add3A_112 : i32 to index
      %get3A_139 = arith.constant 80 : index
      %get3A_140 = tpu.vector_load %arg7[%get3A_138, %get3A_139] {strides = array<i32>} : memref<104x128xi32, #tpu.memory_space<vmem>>, vector<16xi32>,
      %gather3A_141 = tpu.vector_load_idx %arg6[%get3A_140] : memref<100001xf32, #tpu.memory_space<vmem>>[vector<16xi32>], vector<16xf32>,
      %add3A_142 = arith.addf %add3A_98, %gather3A_141 : vector<16xf32>
      %get3A_143 = arith.index_cast %add3A_112 : i32 to index
      %get3A_144 = arith.constant 96 : index
      %get3A_145 = tpu.vector_load %arg7[%get3A_143, %get3A_144] {strides = array<i32>} : memref<104x128xi32, #tpu.memory_space<vmem>>, vector<16xi32>,
      %gather3A_146 = tpu.vector_load_idx %arg6[%get3A_145] : memref<100001xf32, #tpu.memory_space<vmem>>[vector<16xi32>], vector<16xf32>,
      %add3A_147 = arith.addf %add3A_103, %gather3A_146 : vector<16xf32>
      %get3A_148 = arith.index_cast %add3A_112 : i32 to index
      %get3A_149 = arith.constant 112 : index
      %get3A_150 = tpu.vector_load %arg7[%get3A_148, %get3A_149] {strides = array<i32>} : memref<104x128xi32, #tpu.memory_space<vmem>>, vector<16xi32>,
      %gather3A_151 = tpu.vector_load_idx %arg6[%get3A_150] : memref<100001xf32, #tpu.memory_space<vmem>>[vector<16xi32>], vector<16xf32>,
      %add3A_152 = arith.addf %add3A_108, %gather3A_151 : vector<16xf32>
      scf.yield %add3A_117, %add3A_122, %add3A_127, %add3A_132, %add3A_137, %add3A_142, %add3A_147, %add3A_152 : vector<16xf32>, vector<16xf32>, vector<16xf32>, vector<16xf32>, vector<16xf32>, vector<16xf32>, vector<16xf32>, vector<16xf32>
    }
    %scan3A_42 = arith.constant 48 : i32
    %swap3A = arith.constant 0 : index
    %swap3A_43 = tpu.vector_load %arg8[%swap3A] {strides = array<i32>} : memref<128xf32, #tpu.memory_space<vmem>>, vector<16xf32>,
    tpu.vector_store %arg8[%swap3A], %scan3A_41#0 {strides = array<i32>} : memref<128xf32, #tpu.memory_space<vmem>>, vector<16xf32>,
    %swap3A_44 = arith.constant 16 : index
    %swap3A_45 = tpu.vector_load %arg8[%swap3A_44] {strides = array<i32>} : memref<128xf32, #tpu.memory_space<vmem>>, vector<16xf32>,
    tpu.vector_store %arg8[%swap3A_44], %scan3A_41#1 {strides = array<i32>} : memref<128xf32, #tpu.memory_space<vmem>>, vector<16xf32>,
    %swap3A_46 = arith.constant 32 : index
    %swap3A_47 = tpu.vector_load %arg8[%swap3A_46] {strides = array<i32>} : memref<128xf32, #tpu.memory_space<vmem>>, vector<16xf32>,
    tpu.vector_store %arg8[%swap3A_46], %scan3A_41#2 {strides = array<i32>} : memref<128xf32, #tpu.memory_space<vmem>>, vector<16xf32>,
    %swap3A_48 = arith.constant 48 : index
    %swap3A_49 = tpu.vector_load %arg8[%swap3A_48] {strides = array<i32>} : memref<128xf32, #tpu.memory_space<vmem>>, vector<16xf32>,
    tpu.vector_store %arg8[%swap3A_48], %scan3A_41#3 {strides = array<i32>} : memref<128xf32, #tpu.memory_space<vmem>>, vector<16xf32>,
    %swap3A_50 = arith.constant 64 : index
    %swap3A_51 = tpu.vector_load %arg8[%swap3A_50] {strides = array<i32>} : memref<128xf32, #tpu.memory_space<vmem>>, vector<16xf32>,
    tpu.vector_store %arg8[%swap3A_50], %scan3A_41#4 {strides = array<i32>} : memref<128xf32, #tpu.memory_space<vmem>>, vector<16xf32>,
    %swap3A_52 = arith.constant 80 : index
    %swap3A_53 = tpu.vector_load %arg8[%swap3A_52] {strides = array<i32>} : memref<128xf32, #tpu.memory_space<vmem>>, vector<16xf32>,
    tpu.vector_store %arg8[%swap3A_52], %scan3A_41#5 {strides = array<i32>} : memref<128xf32, #tpu.memory_space<vmem>>, vector<16xf32>,
    %swap3A_54 = arith.constant 96 : index
    %swap3A_55 = tpu.vector_load %arg8[%swap3A_54] {strides = array<i32>} : memref<128xf32, #tpu.memory_space<vmem>>, vector<16xf32>,
    tpu.vector_store %arg8[%swap3A_54], %scan3A_41#6 {strides = array<i32>} : memref<128xf32, #tpu.memory_space<vmem>>, vector<16xf32>,
    %swap3A_56 = arith.constant 112 : index
    %swap3A_57 = tpu.vector_load %arg8[%swap3A_56] {strides = array<i32>} : memref<128xf32, #tpu.memory_space<vmem>>, vector<16xf32>,
    tpu.vector_store %arg8[%swap3A_56], %scan3A_41#7 {strides = array<i32>} : memref<128xf32, #tpu.memory_space<vmem>>, vector<16xf32>,
    "tpu.region"() ({
      %run_scoped3A = tpu.sem_alloc : memref<!tpu.dma_semaphore, #tpu.memory_space<semaphore_mem>>
      %dma_start3A_58 = tpu.memref_slice %arg4[%mul3A_2] : memref<4096xf32, #tpu.memory_space<hbm>> -> memref<128xf32, #tpu.memory_space<hbm>>
      %dma_start3A_59 = tpu.memref_slice %arg4[%mul3A_2] : memref<4096xf32, #tpu.memory_space<hbm>> -> memref<128xf32, #tpu.memory_space<hbm>>
      tpu.enqueue_dma source(%arg8 : memref<128xf32, #tpu.memory_space<vmem>>) target(%dma_start3A_59 : memref<128xf32, #tpu.memory_space<hbm>>) target_semaphore(%run_scoped3A : memref<!tpu.dma_semaphore, #tpu.memory_space<semaphore_mem>>)
      %dma_wait3A_60 = tpu.memref_slice %arg4[%mul3A_2] : memref<4096xf32, #tpu.memory_space<hbm>> -> memref<128xf32, #tpu.memory_space<hbm>>
      %dma_wait3A_61 = tpu.memref_slice %arg4[%mul3A_2] : memref<4096xf32, #tpu.memory_space<hbm>> -> memref<128xf32, #tpu.memory_space<hbm>>
      tpu.wait_dma2 semaphore(%run_scoped3A : memref<!tpu.dma_semaphore, #tpu.memory_space<semaphore_mem>>) src(%arg8 : memref<128xf32, #tpu.memory_space<vmem>>) dst(%dma_wait3A_61 : memref<128xf32, #tpu.memory_space<hbm>>)
      tpu.yield
    }) : () -> ()
    return
  }
}

</mosaic_0001>

<sc_bundles>
// kernel: _bow_sum.3.cloned.1.call-start
scs
__scs_entry_jumppad:
0x0: {  	(pc) =	sbr.rel $0x88, $3  }
0x1: {  	(tag) =	ssettag $0x0;
	lr =	simm.s32 $0x1  }
0x2: {  	[smem:$0x3F9F] =	sst lr;
	_ =	strace $0xD0000000  }
0x3: {  	_ = 	snop  }
0x4: {  	_ = 	snop  }
0x5: {  	_ = 	snop  }
0x6: {  	_ = 	snop  }
0x7: {  	_ = 	snop  }
__scs_overlays_trampoline_lowered:
0x8: {  	[smem:$0x3FAE] =	sst s0  }
0x9: {  	[smem:$0x3FAF] =	sst s1  }
0xa: {  	[smem:$0x3FB0] =	sst s2  }
0xb: {  	[smem:$0x3FB1] =	sst s3  }
0xc: {  	[smem:$0x3FB2] =	sst s4  }
0xd: {  	[smem:$0x3FB3] =	sst s5  }
0xe: {  	[smem:$0x3FB4] =	sst s6  }
0xf: {  	[smem:$0x3FB5] =	sst s7  }
0x10: {  	[smem:$0x3FB6] =	sst s8  }
0x11: {  	[smem:$0x3FB7] =	sst s9;
	s0 =	simm.s32 @!p0 $0x0  }
0x12: {  	s1 =	sld [smem:$0x3F9D];
	s0 =	simm.s32 @p0 $0x1  }
0x13: {  	[smem:$0x3FB8] =	sst s0;
	s0 =	simm.s32 @!p1 $0x0  }
0x14: {  	s2 =	sld [smem:$0x3F9C];
	s0 =	simm.s32 @p1 $0x1  }
0x15: {  	[smem:$0x3FB9] =	sst s0;
	s0 =	simm.s32 @!p2 $0x0  }
0x16: {  	s3 =	sld [smem:$0x3FDB];
	s0 =	simm.s32 @p2 $0x1  }
0x17: {  	s4 =	simm.s32 $0x1BF5;
	[smem:$0x3FBB] =	sst s0  }
0x18: {  	s0 =	sld [smem:$0x3F9E];
	_ =	swait.ge [sflag:s4], $0x0  }
0x19: {  	s7 =	sld [smem:$0x3F9F]  }
0x1a: {  	s8 =	sadd.s32 $0xFFFFE003, lr  }
0x1b: {  	s9 =	sadd.s32 $0xFFFFFEF7, lr;
	s5 =	simm.s32 $0xFFFFFFFF;
	p2 =	slt.u32 s8, $0xFFFFF086  }
0x1c: {  	p1 =	slt.u32 s9, $0xF7A;
	s5 =	simm.s32 @!p2 $0x0  }
0x1d: {  	s5 =	simm.s32 @p1 $0x1;
	p0 =	seq.s32 s7, s2  }
0x1e: {  	s7 =	smul.u32 @!p0 $0xF7A, s2;
	p2 =	seq.s32 @!p0 s5, $0x0  }
0x1f: {  	s9 =	smul.u32 $0xF7A, s1;
	s8 =	simm.s32 @!p0 $0x1BF5;
	p2 =	por !p2, p0  }
0x20: {  	[sflag:s8] =	ssyncset.s32 @!p0 $0xFFFFF086;
	s6 =	sadd.s32 @!p0 s3, s7;
	s7 =	simm.s32 @!p0 $0x108  }
0x21: {  	s3 =	sadd.s32 s3, s9;
	s6 =	sadd.s32 @!p0 $0x88, s6;
	s7 =	simm.s32 @p2 $0x1082  }
0x22: {  	[simem:s7], [sflag:s8] =	dma.local @!p0 [hbm:s6], $0xF7A  }
0x23: {  	s9 =	sor.u32 $0xD0000000, s2;
	s6 =	simm.s32 $0x108;
	_ =	swait.ge @!p0 [sflag:s8], $0x0  }
0x24: {  	s3 =	sadd.s32 $0x88, s3;
	s6 =	simm.s32 @!p1 $0x1082;
	[sflag:s4] =	ssyncset.s32 $0xFFFFF086  }
0x25: {  	[simem:s6], [sflag:s4] =	dma.local [hbm:s3], $0xF7A  }
0x26: {  	[smem:$0x3F9F] =	sst s1;
	(tag) =	ssettag s2;
	_ =	strace s9  }
0x27: {  	s1 =	sld [smem:$0x3FAF]  }
0x28: {  	s2 =	sld [smem:$0x3FB0]  }
0x29: {  	s4 =	sld [smem:$0x3FB2]  }
0x2a: {  	p0 =	seq.s32 s5, $0x0;
	s5 =	sld [smem:$0x3FB3]  }
0x2b: {  	s6 =	sld [smem:$0x3FB4]  }
0x2c: {  	s7 =	sld [smem:$0x3FB5]  }
0x2d: {  	s3 =	simm.s32 $0x108;
	s8 =	sld [smem:$0x3FB6]  }
0x2e: {  	s3 =	simm.s32 @!p0 $0x1082;
	s9 =	sld [smem:$0x3FB7]  }
0x2f: {  	lr =	sadd.s32 s0, s3;
	s0 =	sld [smem:$0x3FAE]  }
0x30: {  	s3 =	sld [smem:$0x3FB1]  }
0x31: {  	[smem:$0x3FBA] =	sst s10  }
0x32: {  	s10 =	sld [smem:$0x3FB8];
	_ =	sdelay $0x3  }
0x33: {  	p0 =	seq.s32 s10, $0x1;
	s10 =	sld [smem:$0x3FBA];
	_ =	sdelay $0x3  }
0x34: {  	[smem:$0x3FBA] =	sst s10  }
0x35: {  	s10 =	sld [smem:$0x3FB9];
	_ =	sdelay $0x3  }
0x36: {  	p1 =	seq.s32 s10, $0x1;
	s10 =	sld [smem:$0x3FBA];
	_ =	sdelay $0x3  }
0x37: {  	[smem:$0x3FBA] =	sst s10  }
0x38: {  	s10 =	sld [smem:$0x3FBB]  }
0x39: {  	_ = 	snop;
	(pc) =	sbr.ind lr, $3  }
0x3a: {  	_ = 	snop  }
0x3b: {  	_ = 	snop  }
0x3c: {  	p2 =	seq.s32 s10, $0x1;
	s10 =	sld [smem:$0x3FBA]  }
0x3d: {  	_ =	shalt  }
0x3e: {  	_ =	shalt  }
0x3f: {  	_ =	shalt  }
0x40: {  	_ =	shalt  }
0x41: {  	_ =	shalt  }
0x42: {  	_ =	shalt  }
0x43: {  	_ =	shalt  }
0x44: {  	_ =	shalt  }
0x45: {  	_ =	shalt  }
0x46: {  	_ =	shalt  }
0x47: {  	_ =	shalt  }
0x48: {  	_ =	shalt  }
0x49: {  	_ =	shalt  }
0x4a: {  	_ =	shalt  }
0x4b: {  	_ =	shalt  }
0x4c: {  	_ =	shalt  }
0x4d: {  	_ =	shalt  }
0x4e: {  	_ =	shalt  }
0x4f: {  	_ =	shalt  }
0x50: {  	_ =	shalt  }
0x51: {  	_ =	shalt  }
0x52: {  	_ =	shalt  }
0x53: {  	_ =	shalt  }
0x54: {  	_ =	shalt  }
0x55: {  	_ =	shalt  }
0x56: {  	_ =	shalt  }
0x57: {  	_ =	shalt  }
0x58: {  	_ =	shalt  }
0x59: {  	_ =	shalt  }
0x5a: {  	_ =	shalt  }
0x5b: {  	_ =	shalt  }
0x5c: {  	_ =	shalt  }
0x5d: {  	_ =	shalt  }
0x5e: {  	_ =	shalt  }
0x5f: {  	_ =	shalt  }
0x60: {  	_ =	shalt  }
0x61: {  	_ =	shalt  }
0x62: {  	_ =	shalt  }
0x63: {  	_ =	shalt  }
0x64: {  	_ =	shalt  }
0x65: {  	_ =	shalt  }
0x66: {  	_ =	shalt  }
0x67: {  	_ =	shalt  }
0x68: {  	_ =	shalt  }
0x69: {  	_ =	shalt  }
0x6a: {  	_ =	shalt  }
0x6b: {  	_ =	shalt  }
0x6c: {  	_ =	shalt  }
0x6d: {  	_ =	shalt  }
0x6e: {  	_ =	shalt  }
0x6f: {  	_ =	shalt  }
0x70: {  	_ =	shalt  }
0x71: {  	_ =	shalt  }
0x72: {  	_ =	shalt  }
0x73: {  	_ =	shalt  }
0x74: {  	_ =	shalt  }
0x75: {  	_ =	shalt  }
0x76: {  	_ =	shalt  }
0x77: {  	_ =	shalt  }
0x78: {  	_ =	shalt  }
0x79: {  	_ =	shalt  }
0x7a: {  	_ =	shalt  }
0x7b: {  	_ =	shalt  }
0x7c: {  	_ =	shalt  }
0x7d: {  	_ =	shalt  }
0x7e: {  	_ =	shalt  }
0x7f: {  	_ =	shalt  }
0x80: {  	_ =	shalt  }
0x81: {  	_ =	shalt  }
0x82: {  	_ =	shalt  }
0x83: {  	_ =	shalt  }
0x84: {  	_ =	shalt  }
0x85: {  	_ =	shalt  }
0x86: {  	_ =	shalt  }
0x87: {  	_ =	shalt  }
.Lfunc_end0:
.L_simem_size_0:
called_computation_lowered:
.L_overlay_start_0:
0x88: {  	s2 =	sld [smem:$0x3FD9]  }
0x89: {  	s3 =	sld [smem:$0x3FFE];
	_ =	sdelay $0x1  }
0x8a: {  	s1 =	srdreg.scid  }
0x8b: {  	s0 =	sand.u32 $0x1, s1  }
0x8c: {  	s18 =	sshll.u32 s0, $0xA;
	s2 =	sadd.s32 s3, s2  }
0x8d: {  	s2 =	sadd.s32 s2, s18  }
0x8e: {  	[smem:$0x3FC6] =	sst s2  }
0x8f: {  	_ = 	snop  }
0x90: {  	s2 =	sld [smem:$0x3FC9]  }
0x91: {  	s19 =	sld [smem:$0x3FC8]  }
0x92: {  	s4 =	sld [smem:$0x3FD0];
	(tm) =	ssettm $0x1  }
0x93: {  	s5 =	sld [smem:$0x3FFB];
	_ =	sdelay $0x3  }
0x94: {  	_ =	strace s5  }
0x95: {  	s5 =	sld [smem:$0x3FFC];
	_ =	sdelay $0x3  }
0x96: {  	_ =	strace s5  }
0x97: {  	s5 =	sld [smem:$0x3FFD];
	_ =	sdelay $0x3  }
0x98: {  	_ =	strace s5  }
0x99: {  	_ =	strace $0x8FFFFFFF  }
0x9a: {  	s20 =	sld [smem:$0x3FDB];
	_ =	sdelay $0x1  }
0x9b: {  	s6 =	simm.s32 $_scs_section_size  }
0x9c: {  	s7 =	simm.s32 $_size__tile_overlayer_lowered;
	s8 =	simm.s32 $_tile_overlayer_lowered  }
0x9d: {  	s23 =	simm.s32 $0x1BFF;
	s22 =	sshll.u32 s8, $0x1;
	s5 =	sadd.s32 s6, s20  }
0x9e: {  	s9 =	simm.s32 $0x0;
	s21 =	sshll.u32 s7, $0x1;
	s7 =	sadd.s32 s22, s5  }
0x9f: {  	[timem:s9], [sflag:s23] =	dma.local [hbm:s7], s21  }
0xa0: {  	_ =	swait.ge [sflag:s23], s21  }
0xa1: {  	s6 =	ssub.s32 $0x0, s21;
	[sflag:s23] =	ssyncset.done $0x0  }
0xa2: {  	[sflag:s23] =	ssyncadd.s32 s6;
	_ =	sdelay $0x1  }
0xa3: {  	s24 =	simm.s32 $0x1B8B  }
0xa4: {  	_ =	swait.ge [sflag:s24], $0x1  }
0xa5: {  	[sflag:s24] =	ssyncset.done $0x0  }
0xa6: {  	s25 =	simm.s32 $0x1B8E;
	[sflag:s24] =	ssyncadd.s32 $0xFFFFFFFF  }
0xa7: {  	s26 =	simm.s32 $execute0_lowered;
	[smem:$0x3FD2] =	sst s25  }
0xa8: {  	s6 =	sshll.u32 s26, $0x1;
	_ =	strace $0x80000046;
	[dreg:$0x1] =	wrdreg $0xFFFFFFFF  }
0xa9: {  	s28 =	simm.s32 $_size_execute0_lowered;
	s5 =	sadd.s32 s5, s6;
	[dreg:$0x0] =	wrdreg $0x0  }
0xaa: {  	s6 =	sshll.u32 s28, $0x1;
	[dreg:$0x2] =	wrdreg s5  }
0xab: {  	[dreg:$0x3] =	wrdreg s6  }
0xac: {  	[dreg:$0x4] =	wrdreg $0xC0  }
0xad: {  	_ =	task [dreg:s9], $0x5FFFF  }
0xae: {  	[dreg:$0x1] =	wrdreg $0xFFFFFFFF  }
0xaf: {  	[dreg:$0x0] =	wrdreg $0x60  }
0xb0: {  	[dreg:$0x2] =	wrdreg s2  }
0xb1: {  	[dreg:$0x3] =	wrdreg s19  }
0xb2: {  	[dreg:$0x4] =	wrdreg s4  }
0xb3: {  	[dreg:$0x5] =	wrdreg $0x0  }
0xb4: {  	[dreg:$0x6] =	wrdreg $0x9  }
0xb5: {  	_ =	task.clear_ibuf [dreg:s9], $0x7FFFF;
	_ =	strace $0x90000046  }
0xb6: {  	s29 =	simm.s32 $0x9;
	_ =	strace $0x80000048  }
0xb7: {  	_ =	swait.ge [sflag:s29], $0x1  }
0xb8: {  	[sflag:s29] =	ssyncadd.s32 $0xFFFFFFFF  }
0xb9: {  	_ =	strace $0x90000048  }
0xba: {  	_ =	sfence  }
0xbb: {  	s30 =	sld [smem:$0x0];
	_ =	sdelay $0x2  }
0xbc: {  	s31 =	sshll.u32 s1, $0xD;
	s1 =	sshrl.u32 s1, $0x2  }
0xbd: {  	s3 =	sand.u32 $0x4000, s31;
	s1 =	sadd.s32 s1, s30  }
0xbe: {  	s0 =	sor.u32 s3, s0;
	s1 =	sshll.u32 s1, $0x11  }
0xbf: {  	s0 =	sor.u32 s1, s0  }
0xc0: {  	s0 =	sadd.s32 $0x8F2B, s0  }
0xc1: {  	[sflag:s0] =	ssyncadd.remote.s32 $0x1  }
0xc2: {  	_ =	sfence.sel $0xFFFF  }
0xc3: {  	[dreg:$0x0] =	wrdreg $0xFFFFFFFF;
	(pc) =	sbr.abs _section_cstart, $3  }
0xc4: {  	[dreg:$0x1] =	wrdreg $0xFFFFFFFF  }
0xc5: {  	_ =	task.clear_ibuf [dreg:s9], $0x2FFFF;
	_ =	strace $0x9FFFFFFF  }
0xc6: {  	(tm) =	ssettm $0x7FFFFFFF  }
0xc7: {  	_ =	shalt  }
tec
execute0_lowered:
.L_overlay_start_1:
0x0: {  	(tag) =	ssettag $0x1  }
0x1: {  	s0 =	rddreg [dreg:$0x0]  }
0x2: {  	s4 =	rddreg [dreg:$0x1]  }
0x3: {  	s6 =	rddreg [dreg:$0x2]  }
0x4: {  	s1 =	srdreg.scid;
	s8 =	stileid.u32  }
0x5: {  	s2 =	rddreg [dreg:$0x3];
	s3 =	simm.s32 $0x0;
	s12 =	simm.s32 $0x1870  }
0x6: {  	s13 =	simm.s32 $0x2;
	s14 =	simm.s32 $0x1;
	s15 =	simm.s32 $0x1D370  }
0x7: {  	s16 =	simm.s32 $0x0;
	s5 =	sand.u32 $0x1, s1;
	s1 =	rddreg [dreg:$0x4]  }
0x8: {  	s7 =	sshll.u32 s8, $0x1;
	[smem:$0x7FF] =	sst s3;
	p0 =	sne.s32 s8, $0x0  }
0x9: {  	s8 =	simm.s32 $0x400;
	s7 =	sor.u32 s5, s7;
	s5 =	ssub.s32 $0x2, s5  }
0xa: {  	_ =	strace $0x80000047;
	s11 =	sshrl.u32 @!p0 s2, $0x3;
	s9 =	sshll.u32 s7, $0x7  }
0xb: {  	s10 =	sshrl.u32 s5, $0x1;
	s7 =	sshll.u32 s7, $0x4;
	s4 =	sadd.s32 s4, s9  }
0xc: {  	s31 =	ssub.s32 s5, s10;
	s6 =	sadd.s32 s6, s7;
	s9 =	simm.s32 $0x8000  }
0xd: {  	s10 =	simm.s32 $0x19F70;
	s5 =	sadd.s32 $0xD000, s4;
	s7 =	smax.u32 s31, $0x1  }
.LBB2_1:
0xe: {  	[tilespmem:s10], [sflag:$0x1] =	stream.strided.gather [hbm4b:s4+s8], $0x3400, s9, s8, $0x38;
	[tilespmem:$0x1D3F0] =	vst v63  }
0xf: {  	s17 =	simm.s32 @!p0 $0x1C02  }
0x10: {  	[spmem:s11], [sflag:s17] =	dma.local @!p0 [hbm:s0], $0x30E0  }
0x11: {  	s17 =	simm.s32 @!p0 $0x2  }
0x12: {  	_ =	swait.ge @!p0 [sflag:s17], $0x30E0  }
0x13: {  	[sflag:s17] =	ssyncset.done @!p0 $0x0  }
0x14: {  	[sflag:s17] =	ssyncadd.s32 @!p0 $0xFFFFCF20  }
0x15: {  	[bflag:$0x0] =	sbarrier.arrive $0xFFFF  }
0x16: {  	[tilespmem:s12], [sflag:$0x2] =	stream.linear.gather [spmem:s2], $0x18700, $0x38;
	[tilespmem:$0x1D3F0] =	vst v63  }
0x17: {  	_ =	swait.ge [sflag:s13], $0x18700  }
0x18: {  	[sflag:s13] =	ssyncset.done $0x0  }
0x19: {  	[sflag:s13] =	ssyncadd.s32 $0xFFFE7900  }
0x1a: {  	_ =	swait.ge [sflag:s14], $0x3400  }
0x1b: {  	[sflag:s14] =	ssyncset.done $0x0  }
0x1c: {  	s31 =	simm.s32 $0x0;
	[sflag:s14] =	ssyncadd.s32 $0xFFFFCC00  }
0x1d: {  	v0 =	vld [tilespmem:s31+$0x19FF0]  }
0x1e: {  	v1 =	vld [tilespmem:s31+$0x1A000]  }
0x1f: {  	v2 =	vld [tilespmem:s31+$0x1A010]  }
0x20: {  	v3 =	vld [tilespmem:s31+$0x1A020]  }
0x21: {  	v9 =	vld [tilespmem:s31+$0x1A030]  }
0x22: {  	v15 =	vld [tilespmem:s31+$0x1A040]  }
0x23: {  	v10 =	vld [tilespmem:s31+$0x1A050]  }
0x24: {  	v8 =	vld [tilespmem:s31+$0x1A060]  }
0x25: {  	v16 =	vld [tilespmem:s31+$0x19F70]  }
0x26: {  	v17 =	vld [tilespmem:s31+$0x19F80]  }
0x27: {  	v18 =	vld [tilespmem:s31+$0x19F90]  }
0x28: {  	v19 =	vld [tilespmem:s31+$0x19FA0]  }
0x29: {  	v20 =	vld [tilespmem:s31+$0x19FB0]  }
0x2a: {  	v21 =	vld [tilespmem:s31+$0x19FC0]  }
0x2b: {  	v22 =	vld [tilespmem:s31+$0x19FD0]  }
0x2c: {  	v23 =	vld [tilespmem:s31+$0x19FE0]  }
0x2d: {  	v11 =	vld.idx.msk [tilespmem:v0+s12+$0x0], $0xffff  }
0x2e: {  	v13 =	vld.idx.msk [tilespmem:v1+s12+$0x0], $0xffff  }
0x2f: {  	v4 =	vimm.f32 $0.0e+00;
	v7 =	vimm.f32 $0.0e+00;
	v12 =	vld.idx.msk [tilespmem:v2+s12+$0x0], $0xffff  }
0x30: {  	v5 =	vimm.f32 $0.0e+00;
	v6 =	vimm.f32 $0.0e+00;
	v14 =	vld.idx.msk [tilespmem:v3+s12+$0x0], $0xffff;
	v0 =	vimm.f32 $0.0e+00  }
0x31: {  	s17 =	simm.s32 $0x400;
	v9 =	vld.idx.msk [tilespmem:v9+s12+$0x0], $0xffff;
	v3 =	vimm.f32 $0.0e+00;
	v1 =	vimm.f32 $0.0e+00;
	v2 =	vimm.f32 $0.0e+00  }
.LBB2_2:
0x32: {  	p1 =	sne.s32 s17, $0xCC00;
	v15 =	vld.idx.msk [tilespmem:v15+s12+$0x0], $0xffff  }
0x33: {  	v16 =	vld.idx.msk [tilespmem:v16+s12+$0x0], $0xffff  }
0x34: {  	v17 =	vld.idx.msk [tilespmem:v17+s12+$0x0], $0xffff  }
0x35: {  	v18 =	vld.idx.msk [tilespmem:v18+s12+$0x0], $0xffff  }
0x36: {  	v19 =	vld.idx.msk [tilespmem:v19+s12+$0x0], $0xffff  }
0x37: {  	v20 =	vld.idx.msk [tilespmem:v20+s12+$0x0], $0xffff  }
0x38: {  	v21 =	vld.idx.msk [tilespmem:v21+s12+$0x0], $0xffff  }
0x39: {  	v22 =	vld.idx.msk [tilespmem:v22+s12+$0x0], $0xffff  }
0x3a: {  	v23 =	vld.idx.msk [tilespmem:v23+s12+$0x0], $0xffff  }
0x3b: {  	v4 =	vadd.f32 v16, v4;
	v7 =	vadd.f32 v17, v7;
	v10 =	vld.idx.msk [tilespmem:v10+s12+$0x0], $0xffff  }
0x3c: {  	s18 =	sshra.s32 s17, $0x2;
	v5 =	vadd.f32 v18, v5;
	v6 =	vadd.f32 v19, v6;
	v8 =	vld.idx.msk [tilespmem:v8+s12+$0x0], $0xffff  }
0x3d: {  	v4 =	vadd.f32 v11, v4;
	v7 =	vadd.f32 v13, v7;
	v24 =	vld [tilespmem:s18+$0x19FF0]  }
0x3e: {  	v5 =	vadd.f32 v12, v5;
	v6 =	vadd.f32 v14, v6;
	v13 =	vld [tilespmem:s18+$0x1A000]  }
0x3f: {  	v0 =	vadd.f32 v20, v0;
	v3 =	vadd.f32 v21, v3;
	v12 =	vld [tilespmem:s18+$0x1A010]  }
0x40: {  	v1 =	vadd.f32 v22, v1;
	v2 =	vadd.f32 v23, v2;
	v14 =	vld [tilespmem:s18+$0x1A020]  }
0x41: {  	v0 =	vadd.f32 v9, v0;
	v3 =	vadd.f32 v15, v3;
	v25 =	vld [tilespmem:s18+$0x1A030]  }
0x42: {  	v1 =	vadd.f32 v10, v1;
	v2 =	vadd.f32 v8, v2;
	v15 =	vld [tilespmem:s18+$0x1A040]  }
0x43: {  	v10 =	vld [tilespmem:s18+$0x1A050]  }
0x44: {  	v8 =	vld [tilespmem:s18+$0x1A060]  }
0x45: {  	v16 =	vld [tilespmem:s18+$0x19F70]  }
0x46: {  	v17 =	vld [tilespmem:s18+$0x19F80]  }
0x47: {  	v18 =	vld [tilespmem:s18+$0x19F90]  }
0x48: {  	v19 =	vld [tilespmem:s18+$0x19FA0]  }
0x49: {  	v20 =	vld [tilespmem:s18+$0x19FB0]  }
0x4a: {  	v21 =	vld [tilespmem:s18+$0x19FC0]  }
0x4b: {  	v22 =	vld [tilespmem:s18+$0x19FD0]  }
0x4c: {  	v23 =	vld [tilespmem:s18+$0x19FE0]  }
.Ltmp0:
0x4d: {  	v11 =	vld.idx.msk [tilespmem:v24+s12+$0x0], $0xffff;
	(pc) =	sbr.rel @p1 .LBB2_2-.Ltmp0, $4  }
0x4e: {  	v13 =	vld.idx.msk [tilespmem:v13+s12+$0x0], $0xffff  }
0x4f: {  	v12 =	vld.idx.msk [tilespmem:v12+s12+$0x0], $0xffff  }
0x50: {  	v14 =	vld.idx.msk [tilespmem:v14+s12+$0x0], $0xffff  }
0x51: {  	s17 =	sadd.s32 $0x400, s17;
	v9 =	vld.idx.msk [tilespmem:v25+s12+$0x0], $0xffff  }
0x52: {  	_ =	sdelay $0x3  }
0x53: {  	v24 =	vld.idx.msk [tilespmem:v15+s12+$0x0], $0xffff  }
0x54: {  	v25 =	vld.idx.msk [tilespmem:v16+s12+$0x0], $0xffff  }
0x55: {  	v26 =	vld.idx.msk [tilespmem:v17+s12+$0x0], $0xffff  }
0x56: {  	v27 =	vld.idx.msk [tilespmem:v18+s12+$0x0], $0xffff  }
0x57: {  	v28 =	vld.idx.msk [tilespmem:v19+s12+$0x0], $0xffff  }
0x58: {  	v29 =	vld.idx.msk [tilespmem:v20+s12+$0x0], $0xffff  }
0x59: {  	v30 =	vld.idx.msk [tilespmem:v21+s12+$0x0], $0xffff  }
0x5a: {  	v31 =	vld.idx.msk [tilespmem:v22+s12+$0x0], $0xffff  }
0x5b: {  	v32 =	vld.idx.msk [tilespmem:v23+s12+$0x0], $0xffff  }
0x5c: {  	v33 =	vld.idx.msk [tilespmem:v10+s12+$0x0], $0xffff  }
0x5d: {  	v34 =	vld.idx.msk [tilespmem:v8+s12+$0x0], $0xffff;
	[tilespmem:s10], [sflag:$0x1] =	stream.strided.gather [hbm4b:s5+s8], $0x3000, s9, s8, $0x38  }
0x5e: {  	_ =	swait.ge [sflag:s14], $0x3000  }
0x5f: {  	[sflag:s14] =	ssyncset.done $0x0  }
0x60: {  	s17 =	simm.s32 $0x0;
	[sflag:s14] =	ssyncadd.s32 $0xFFFFD000  }
0x61: {  	v35 =	vld [tilespmem:s17+$0x19FF0]  }
0x62: {  	v36 =	vld [tilespmem:s17+$0x1A000]  }
0x63: {  	v37 =	vld [tilespmem:s17+$0x1A010]  }
0x64: {  	v38 =	vld [tilespmem:s17+$0x1A020]  }
0x65: {  	v39 =	vld [tilespmem:s17+$0x1A030]  }
0x66: {  	v15 =	vld [tilespmem:s17+$0x1A040]  }
0x67: {  	v10 =	vld [tilespmem:s17+$0x1A050]  }
0x68: {  	v8 =	vld [tilespmem:s17+$0x1A060]  }
0x69: {  	v16 =	vld [tilespmem:s17+$0x19F70]  }
0x6a: {  	v17 =	vld [tilespmem:s17+$0x19F80]  }
0x6b: {  	v18 =	vld [tilespmem:s17+$0x19F90]  }
0x6c: {  	v19 =	vld [tilespmem:s17+$0x19FA0]  }
0x6d: {  	v20 =	vld [tilespmem:s17+$0x19FB0]  }
0x6e: {  	v21 =	vld [tilespmem:s17+$0x19FC0];
	v4 =	vadd.f32 v25, v4;
	v23 =	vadd.f32 v26, v7  }
0x6f: {  	v22 =	vld [tilespmem:s17+$0x19FD0];
	v5 =	vadd.f32 v27, v5;
	v61 =	vadd.f32 v28, v6  }
0x70: {  	v0 =	vadd.f32 v29, v0;
	v6 =	vadd.f32 v13, v23;
	v23 =	vld [tilespmem:s17+$0x19FE0]  }
0x71: {  	v7 =	vadd.f32 v11, v4;
	v5 =	vadd.f32 v12, v5;
	v11 =	vld.idx.msk [tilespmem:v35+s12+$0x0], $0xffff  }
0x72: {  	v4 =	vadd.f32 v14, v61;
	v14 =	vadd.f32 v30, v3;
	v12 =	vld.idx.msk [tilespmem:v36+s12+$0x0], $0xffff  }
0x73: {  	v62 =	vadd.f32 v31, v1;
	v63 =	vadd.f32 v32, v2;
	v13 =	vld.idx.msk [tilespmem:v37+s12+$0x0], $0xffff  }
0x74: {  	v3 =	vadd.f32 v9, v0;
	v1 =	vadd.f32 v24, v14;
	v14 =	vld.idx.msk [tilespmem:v38+s12+$0x0], $0xffff  }
0x75: {  	v2 =	vadd.f32 v33, v62;
	v0 =	vadd.f32 v34, v63;
	s17 =	simm.s32 $0x400;
	v9 =	vld.idx.msk [tilespmem:v39+s12+$0x0], $0xffff  }
.LBB2_4:
0x76: {  	p1 =	sne.s32 s17, $0xBC00;
	v15 =	vld.idx.msk [tilespmem:v15+s12+$0x0], $0xffff  }
0x77: {  	v16 =	vld.idx.msk [tilespmem:v16+s12+$0x0], $0xffff  }
0x78: {  	v17 =	vld.idx.msk [tilespmem:v17+s12+$0x0], $0xffff  }
0x79: {  	v18 =	vld.idx.msk [tilespmem:v18+s12+$0x0], $0xffff  }
0x7a: {  	v19 =	vld.idx.msk [tilespmem:v19+s12+$0x0], $0xffff  }
0x7b: {  	v20 =	vld.idx.msk [tilespmem:v20+s12+$0x0], $0xffff  }
0x7c: {  	v21 =	vld.idx.msk [tilespmem:v21+s12+$0x0], $0xffff  }
0x7d: {  	v22 =	vld.idx.msk [tilespmem:v22+s12+$0x0], $0xffff  }
0x7e: {  	v23 =	vld.idx.msk [tilespmem:v23+s12+$0x0], $0xffff  }
0x7f: {  	v7 =	vadd.f32 v16, v7;
	v6 =	vadd.f32 v17, v6;
	v10 =	vld.idx.msk [tilespmem:v10+s12+$0x0], $0xffff  }
0x80: {  	s18 =	sshra.s32 s17, $0x2;
	v5 =	vadd.f32 v18, v5;
	v4 =	vadd.f32 v19, v4;
	v8 =	vld.idx.msk [tilespmem:v8+s12+$0x0], $0xffff  }
0x81: {  	v7 =	vadd.f32 v11, v7;
	v6 =	vadd.f32 v12, v6;
	v24 =	vld [tilespmem:s18+$0x19FF0]  }
0x82: {  	v5 =	vadd.f32 v13, v5;
	v4 =	vadd.f32 v14, v4;
	v12 =	vld [tilespmem:s18+$0x1A000]  }
0x83: {  	v3 =	vadd.f32 v20, v3;
	v1 =	vadd.f32 v21, v1;
	v13 =	vld [tilespmem:s18+$0x1A010]  }
0x84: {  	v2 =	vadd.f32 v22, v2;
	v0 =	vadd.f32 v23, v0;
	v14 =	vld [tilespmem:s18+$0x1A020]  }
0x85: {  	v3 =	vadd.f32 v9, v3;
	v1 =	vadd.f32 v15, v1;
	v25 =	vld [tilespmem:s18+$0x1A030]  }
0x86: {  	v2 =	vadd.f32 v10, v2;
	v0 =	vadd.f32 v8, v0;
	v15 =	vld [tilespmem:s18+$0x1A040]  }
0x87: {  	v10 =	vld [tilespmem:s18+$0x1A050]  }
0x88: {  	v8 =	vld [tilespmem:s18+$0x1A060]  }
0x89: {  	v16 =	vld [tilespmem:s18+$0x19F70]  }
0x8a: {  	v17 =	vld [tilespmem:s18+$0x19F80]  }
0x8b: {  	v18 =	vld [tilespmem:s18+$0x19F90]  }
0x8c: {  	v19 =	vld [tilespmem:s18+$0x19FA0]  }
0x8d: {  	v20 =	vld [tilespmem:s18+$0x19FB0]  }
0x8e: {  	v21 =	vld [tilespmem:s18+$0x19FC0]  }
0x8f: {  	v22 =	vld [tilespmem:s18+$0x19FD0]  }
0x90: {  	v23 =	vld [tilespmem:s18+$0x19FE0]  }
.Ltmp1:
0x91: {  	v11 =	vld.idx.msk [tilespmem:v24+s12+$0x0], $0xffff;
	(pc) =	sbr.rel @p1 .LBB2_4-.Ltmp1, $4  }
0x92: {  	v12 =	vld.idx.msk [tilespmem:v12+s12+$0x0], $0xffff  }
0x93: {  	v13 =	vld.idx.msk [tilespmem:v13+s12+$0x0], $0xffff  }
0x94: {  	v14 =	vld.idx.msk [tilespmem:v14+s12+$0x0], $0xffff  }
0x95: {  	s17 =	sadd.s32 $0x400, s17;
	v9 =	vld.idx.msk [tilespmem:v25+s12+$0x0], $0xffff  }
0x96: {  	_ =	sdelay $0x3  }
0x97: {  	v15 =	vld.idx.msk [tilespmem:v15+s12+$0x0], $0xffff  }
0x98: {  	v16 =	vld.idx.msk [tilespmem:v16+s12+$0x0], $0xffff  }
0x99: {  	v17 =	vld.idx.msk [tilespmem:v17+s12+$0x0], $0xffff  }
0x9a: {  	v18 =	vld.idx.msk [tilespmem:v18+s12+$0x0], $0xffff  }
0x9b: {  	v19 =	vld.idx.msk [tilespmem:v19+s12+$0x0], $0xffff  }
0x9c: {  	v20 =	vld.idx.msk [tilespmem:v20+s12+$0x0], $0xffff  }
0x9d: {  	v21 =	vld.idx.msk [tilespmem:v21+s12+$0x0], $0xffff;
	v7 =	vadd.f32 v16, v7  }
0x9e: {  	v22 =	vld.idx.msk [tilespmem:v22+s12+$0x0], $0xffff;
	v6 =	vadd.f32 v17, v6  }
0x9f: {  	v63 =	vld.idx.msk [tilespmem:v23+s12+$0x0], $0xffff;
	v5 =	vadd.f32 v18, v5;
	v7 =	vadd.f32 v11, v7  }
0xa0: {  	v10 =	vld.idx.msk [tilespmem:v10+s12+$0x0], $0xffff;
	v4 =	vadd.f32 v19, v4;
	v6 =	vadd.f32 v12, v6  }
0xa1: {  	v8 =	vld.idx.msk [tilespmem:v8+s12+$0x0], $0xffff;
	v3 =	vadd.f32 v20, v3;
	v5 =	vadd.f32 v13, v5;
	[tilespmem:$0x1D370] =	vst v7  }
0xa2: {  	v1 =	vadd.f32 v21, v1;
	v4 =	vadd.f32 v14, v4;
	[tilespmem:$0x1D380] =	vst v6  }
0xa3: {  	v2 =	vadd.f32 v22, v2;
	v3 =	vadd.f32 v9, v3;
	[tilespmem:$0x1D390] =	vst v5  }
0xa4: {  	v0 =	vadd.f32 v63, v0;
	v1 =	vadd.f32 v15, v1;
	[tilespmem:$0x1D3A0] =	vst v4  }
0xa5: {  	v2 =	vadd.f32 v10, v2;
	[tilespmem:$0x1D3B0] =	vst v3  }
0xa6: {  	s16 =	sadd.s32 $0x1, s16;
	v0 =	vadd.f32 v8, v0;
	[tilespmem:$0x1D3C0] =	vst v1  }
0xa7: {  	p1 =	sne.s32 s16, s7;
	[tilespmem:$0x1D3D0] =	vst v2  }
.Ltmp2:
0xa8: {  	[tilespmem:$0x1D3E0] =	vst v0;
	(pc) =	sbr.rel @p1 .LBB2_1-.Ltmp2, $4  }
0xa9: {  	[hbm4b:s6+s3] =	stream.linear.scatter [tilespmem:s15], [sflag:$0x2], $0x80, $0x38;
	[tilespmem:$0x1D3F0] =	vst v63  }
0xaa: {  	_ =	swait.ge [sflag:s13], $0x80  }
0xab: {  	[sflag:s13] =	ssyncset.done $0x0  }
0xac: {  	[sflag:s13] =	ssyncadd.s32 $0xFFFFFF80  }
0xad: {  	_ =	sfence.sel $0x180000  }
0xae: {  	[bflag:$0x0] =	sbarrier.arrive $0xFFFF  }
0xaf: {  	_ =	strace $0x90000047  }
0xb0: {  	s0 =	sadd.s32 @!p0 $0x100000, s1;
	[bflag:$0x2] =	sbarrier.arrive $0xFFFF  }
0xb1: {  	[sflag:s0] =	ssyncadd.tile.s32 @!p0 $0x1;
	_ =	shalt  }
.Lfunc_end2:
_tile_overlayer_lowered:
.L_overlay_start_2:
0xb2: {  	(tag) =	ssettag $0x2  }
0xb3: {  	s0 =	rddreg [dreg:$0x0];
	s2 =	stileid.u32  }
0xb4: {  	s1 =	rddreg [dreg:$0x1];
	p0 =	sne.s32 s2, $0x0  }
0xb5: {  	s3 =	rddreg [dreg:$0x2];
	[bflag:$0x3] =	sbarrier.arrive $0xFFFF;
	s2 =	simm.s32 @!p0 $0x1C02  }
0xb6: {  	[timem:s3], [sflag:s2] =	dma.local @!p0 [hbm:s0], s1  }
0xb7: {  	s0 =	simm.s32 @!p0 $0x2  }
0xb8: {  	_ =	swait.ge @!p0 [sflag:s0], s1  }
0xb9: {  	s1 =	ssub.s32 @!p0 $0x0, s1;
	[sflag:s0] =	ssyncset.done @!p0 $0x0  }
0xba: {  	[sflag:s0] =	ssyncadd.s32 @!p0 s1  }
0xbb: {  	[bflag:$0x3] =	sbarrier.arrive $0xFFFF  }
0xbc: {  	_ =	shalt  }

</sc_bundles>
